<compile_context>
chip_gen: v7x
topology: tpu7x:2x2x1
jax: 0.10.2.dev20260603
libtpu: 0.0.44.dev20260713+nightly
codegen_flags: <defaults>
</compile_context>

<pallas_src>
import jax
import jax.numpy as jnp
from jax import lax
from jax.experimental import pallas as pl
from jax.experimental.pallas import tpu as pltpu
from jax.experimental.pallas import tpu_sc as plsc

NUM_EMB = 100000
DIM = 128
NC = 2
NS = 16
NW = NC * NS
CH = 128
NBUF = 4
TOTAL = 4096 * 200
PER_W = TOTAL // NW
NCHUNK = PER_W // CH


def _body(idx_hbm, table_hbm, out_hbm, idx_v, rows, gsems, osems):
    wid = lax.axis_index("s") * NC + lax.axis_index("c")
    pltpu.sync_copy(idx_hbm.at[wid], idx_v)
    base = wid * PER_W

    def gather(ch, b):
        pltpu.async_copy(table_hbm.at[idx_v.at[ch]], rows[b], gsems[b])

    def gather_wait(ch, b):
        pltpu.make_async_copy(table_hbm.at[idx_v.at[ch]], rows[b], gsems[b]).wait()

    def write(ch, b):
        pltpu.async_copy(rows[b], out_hbm.at[pl.ds(base + ch * CH, CH)], osems[b])

    def write_wait(ch, b):
        pltpu.make_async_copy(
            rows[b], out_hbm.at[pl.ds(base + ch * CH, CH)], osems[b]).wait()

    gather(0, 0)
    gather(1, 1)
    for ch in (0, 1):
        gather_wait(ch, ch)
        write(ch, ch)
        gather(ch + 2, ch + 2)

    def round_(r, carry):
        for j in range(NBUF):
            ch = 4 * r + 2 + j
            b = (2 + j) % NBUF
            gather_wait(ch, b)
            write(ch, b)
            nxt = ch + 2
            nb = (b + 2) % NBUF
            write_wait(nxt - NBUF, nb)
            gather(nxt, nb)
        return carry

    lax.fori_loop(0, (NCHUNK - 4) // NBUF, round_, 0)

    for ch in (NCHUNK - 2, NCHUNK - 1):
        b = ch % NBUF
        gather_wait(ch, b)
        write(ch, b)
    for ch in range(NCHUNK - NBUF, NCHUNK):
        write_wait(ch, ch % NBUF)


_sc_gather = pl.kernel(
    _body,
    out_type=jax.ShapeDtypeStruct((TOTAL, DIM), jnp.float32),
    mesh=plsc.VectorSubcoreMesh(core_axis_name="c", subcore_axis_name="s"),
    scratch_types=[
        pltpu.VMEM((NCHUNK, CH), jnp.int32),
        [pltpu.VMEM((CH, DIM), jnp.float32) for _ in range(NBUF)],
        [pltpu.SemaphoreType.DMA for _ in range(NBUF)],
        [pltpu.SemaphoreType.DMA for _ in range(NBUF)],
    ],
)


def kernel(input, embed_weight):
    idx = input.reshape(NW, NCHUNK, CH).astype(jnp.int32)
    out = _sc_gather(idx, embed_weight)
    return out.reshape(input.shape[0], input.shape[1], DIM)

# --- scband reference (transcript-rebuilt; emitter-appended) ---
"""Pipeline reference for scband-dummy-model-embed-74861279969564 (READ-ONLY COPY).

The authoritative reference and input builder live on the scoring server;
editing this copy changes nothing except your own understanding.
"""

import jax, jax.numpy as jnp
import numpy as np

NUM_EMBEDDINGS = 100000
EMBEDDING_DIM = 128
BATCH = 4096
SEQ = 200

def setup_inputs(seed: int = 0) -> dict:
    key = jax.random.key(seed)
    k_idx, _ = jax.random.split(key)
    indices = jax.random.randint(k_idx, (BATCH, SEQ), 0, NUM_EMBEDDINGS, dtype=jnp.int64 if jax.config.jax_enable_x64 else jnp.int32)
    # Parameter initialized to ones, matching torch module init
    embed_weight = jnp.ones((NUM_EMBEDDINGS, EMBEDDING_DIM), dtype=jnp.float32)
    return {"input": indices, "embed_weight": embed_weight}

def reference(input, embed_weight):
    # tp_size == 1 path: plain embedding lookup
    out = jnp.take(embed_weight, input, axis=0)
    return out

if __name__ == "__main__":
    import jax
    _d = setup_inputs()
    print(jax.jit(kernel)(*tuple(_d.values())))

</pallas_src>

<mosaic_0001>
#map = affine_map<(d0, d1) -> (0, 0, 0)>
#map1 = affine_map<(d0, d1) -> (0, 0)>
module attributes {stable_mosaic.version = 14 : i64} {
  func.func @_body(%arg0: i32, %arg1: i32, %arg2: memref<32x200x128xi32, #tpu.memory_space<hbm>>, %arg3: memref<100000x128xf32, #tpu.memory_space<hbm>>, %arg4: memref<819200x128xf32, #tpu.memory_space<hbm>>, %arg5: memref<200x128xi32, #tpu.memory_space<vmem>>, %arg6: memref<128x128xf32, #tpu.memory_space<vmem>>, %arg7: memref<128x128xf32, #tpu.memory_space<vmem>>, %arg8: memref<128x128xf32, #tpu.memory_space<vmem>>, %arg9: memref<128x128xf32, #tpu.memory_space<vmem>>, %arg10: memref<!tpu.dma_semaphore, #tpu.memory_space<semaphore_mem>>, %arg11: memref<!tpu.dma_semaphore, #tpu.memory_space<semaphore_mem>>, %arg12: memref<!tpu.dma_semaphore, #tpu.memory_space<semaphore_mem>>, %arg13: memref<!tpu.dma_semaphore, #tpu.memory_space<semaphore_mem>>, %arg14: memref<!tpu.dma_semaphore, #tpu.memory_space<semaphore_mem>>, %arg15: memref<!tpu.dma_semaphore, #tpu.memory_space<semaphore_mem>>, %arg16: memref<!tpu.dma_semaphore, #tpu.memory_space<semaphore_mem>>, %arg17: memref<!tpu.dma_semaphore, #tpu.memory_space<semaphore_mem>>) attributes {dimension_semantics = [#tpu.dimension_semantics<core_parallel>, #tpu.dimension_semantics<subcore_parallel>], iteration_bounds = array<i64: 2, 16>, scalar_prefetch = 0 : i64, scratch_operands = 13 : i64, tpu.core_type = #tpu.core_type<sc_vector_subcore>, window_params = [{transform_indices = #map}, {transform_indices = #map1}, {transform_indices = #map1}]} {
    %mul3A = arith.constant 2 : i32
    %mul3A_0 = arith.muli %arg1, %mul3A : i32
    %add3A = arith.addi %mul3A_0, %arg0 : i32
    "tpu.region"() ({
      %run_scoped3A = tpu.sem_alloc : memref<!tpu.dma_semaphore, #tpu.memory_space<semaphore_mem>>
      %dma_start3A_110 = arith.constant 0 : i32
      %dma_start3A_111 = arith.constant 0 : i32
      %dma_start3A_112 = tpu.memref_slice %arg2[%add3A, %dma_start3A_110, %dma_start3A_111] : memref<32x200x128xi32, #tpu.memory_space<hbm>> -> memref<1x200x128xi32, #tpu.memory_space<hbm>>
      %dma_start3A_113 = tpu.memref_squeeze %dma_start3A_112 : memref<1x200x128xi32, #tpu.memory_space<hbm>> -> memref<200x128xi32, #tpu.memory_space<hbm>>
      %dma_start3A_114 = arith.constant 0 : i32
      %dma_start3A_115 = arith.constant 0 : i32
      %dma_start3A_116 = tpu.memref_slice %arg2[%add3A, %dma_start3A_114, %dma_start3A_115] : memref<32x200x128xi32, #tpu.memory_space<hbm>> -> memref<1x200x128xi32, #tpu.memory_space<hbm>>
      %dma_start3A_117 = tpu.memref_squeeze %dma_start3A_116 : memref<1x200x128xi32, #tpu.memory_space<hbm>> -> memref<200x128xi32, #tpu.memory_space<hbm>>
      tpu.enqueue_dma source(%dma_start3A_117 : memref<200x128xi32, #tpu.memory_space<hbm>>) target(%arg5 : memref<200x128xi32, #tpu.memory_space<vmem>>) target_semaphore(%run_scoped3A : memref<!tpu.dma_semaphore, #tpu.memory_space<semaphore_mem>>)
      %dma_wait3A_118 = arith.constant 0 : i32
      %dma_wait3A_119 = arith.constant 0 : i32
      %dma_wait3A_120 = tpu.memref_slice %arg2[%add3A, %dma_wait3A_118, %dma_wait3A_119] : memref<32x200x128xi32, #tpu.memory_space<hbm>> -> memref<1x200x128xi32, #tpu.memory_space<hbm>>
      %dma_wait3A_121 = tpu.memref_squeeze %dma_wait3A_120 : memref<1x200x128xi32, #tpu.memory_space<hbm>> -> memref<200x128xi32, #tpu.memory_space<hbm>>
      %dma_wait3A_122 = arith.constant 0 : i32
      %dma_wait3A_123 = arith.constant 0 : i32
      %dma_wait3A_124 = tpu.memref_slice %arg2[%add3A, %dma_wait3A_122, %dma_wait3A_123] : memref<32x200x128xi32, #tpu.memory_space<hbm>> -> memref<1x200x128xi32, #tpu.memory_space<hbm>>
      %dma_wait3A_125 = tpu.memref_squeeze %dma_wait3A_124 : memref<1x200x128xi32, #tpu.memory_space<hbm>> -> memref<200x128xi32, #tpu.memory_space<hbm>>
      tpu.wait_dma2 semaphore(%run_scoped3A : memref<!tpu.dma_semaphore, #tpu.memory_space<semaphore_mem>>) src(%dma_wait3A_125 : memref<200x128xi32, #tpu.memory_space<hbm>>) dst(%arg5 : memref<200x128xi32, #tpu.memory_space<vmem>>)
      tpu.yield
    }) : () -> ()
    %mul3A_1 = arith.constant 25600 : i32
    %mul3A_2 = arith.muli %add3A, %mul3A_1 : i32
    %dma_start3A = arith.constant 0 : i32
    %dma_start3A_3 = arith.constant 0 : i32
    %dma_start3A_4 = tpu.memref_slice %arg5[%dma_start3A, %dma_start3A_3] : memref<200x128xi32, #tpu.memory_space<vmem>> -> memref<1x128xi32, #tpu.memory_space<vmem>>
    %dma_start3A_5 = tpu.memref_squeeze %dma_start3A_4 : memref<1x128xi32, #tpu.memory_space<vmem>> -> memref<128xi32, #tpu.memory_space<vmem>>
    %dma_start3A_6 = arith.constant 0 : i32
    %dma_start3A_7 = arith.constant 0 : i32
    %dma_start3A_8 = tpu.memref_slice %arg3[%dma_start3A_6, %dma_start3A_7] : memref<100000x128xf32, #tpu.memory_space<hbm>> -> memref<100000x128xf32, #tpu.memory_space<hbm>>
    tpu.enqueue_indirect_dma source(%dma_start3A_8 : memref<100000x128xf32, #tpu.memory_space<hbm>>) target(%arg6 : memref<128x128xf32, #tpu.memory_space<vmem>>) offsets(%dma_start3A_5 : memref<128xi32, #tpu.memory_space<vmem>>) semaphore(%arg10 : memref<!tpu.dma_semaphore, #tpu.memory_space<semaphore_mem>>)
    %dma_start3A_9 = arith.constant 1 : i32
    %dma_start3A_10 = arith.constant 0 : i32
    %dma_start3A_11 = tpu.memref_slice %arg5[%dma_start3A_9, %dma_start3A_10] : memref<200x128xi32, #tpu.memory_space<vmem>> -> memref<1x128xi32, #tpu.memory_space<vmem>>
    %dma_start3A_12 = tpu.memref_squeeze %dma_start3A_11 : memref<1x128xi32, #tpu.memory_space<vmem>> -> memref<128xi32, #tpu.memory_space<vmem>>
    %dma_start3A_13 = arith.constant 0 : i32
    %dma_start3A_14 = arith.constant 0 : i32
    %dma_start3A_15 = tpu.memref_slice %arg3[%dma_start3A_13, %dma_start3A_14] : memref<100000x128xf32, #tpu.memory_space<hbm>> -> memref<100000x128xf32, #tpu.memory_space<hbm>>
    tpu.enqueue_indirect_dma source(%dma_start3A_15 : memref<100000x128xf32, #tpu.memory_space<hbm>>) target(%arg7 : memref<128x128xf32, #tpu.memory_space<vmem>>) offsets(%dma_start3A_12 : memref<128xi32, #tpu.memory_space<vmem>>) semaphore(%arg11 : memref<!tpu.dma_semaphore, #tpu.memory_space<semaphore_mem>>)
    %dma_wait3A = arith.constant 0 : i32
    %dma_wait3A_16 = arith.constant 0 : i32
    %dma_wait3A_17 = tpu.memref_slice %arg5[%dma_wait3A, %dma_wait3A_16] : memref<200x128xi32, #tpu.memory_space<vmem>> -> memref<1x128xi32, #tpu.memory_space<vmem>>
    %dma_wait3A_18 = tpu.memref_squeeze %dma_wait3A_17 : memref<1x128xi32, #tpu.memory_space<vmem>> -> memref<128xi32, #tpu.memory_space<vmem>>
    %dma_wait3A_19 = arith.constant 0 : i32
    %dma_wait3A_20 = arith.constant 0 : i32
    %dma_wait3A_21 = tpu.memref_slice %arg3[%dma_wait3A_19, %dma_wait3A_20] : memref<100000x128xf32, #tpu.memory_space<hbm>> -> memref<100000x128xf32, #tpu.memory_space<hbm>>
    tpu.wait_indirect_dma semaphore(%arg10 : memref<!tpu.dma_semaphore, #tpu.memory_space<semaphore_mem>>) src(%dma_wait3A_21 : memref<100000x128xf32, #tpu.memory_space<hbm>>) dst(%arg6 : memref<128x128xf32, #tpu.memory_space<vmem>>)
    %add3A_22 = arith.constant 0 : i32
    %add3A_23 = arith.addi %mul3A_2, %add3A_22 : i32
    %dma_start3A_24 = arith.constant 0 : i32
    %dma_start3A_25 = tpu.memref_slice %arg4[%add3A_23, %dma_start3A_24] : memref<819200x128xf32, #tpu.memory_space<hbm>> -> memref<128x128xf32, #tpu.memory_space<hbm>>
    %dma_start3A_26 = arith.constant 0 : i32
    %dma_start3A_27 = tpu.memref_slice %arg4[%add3A_23, %dma_start3A_26] : memref<819200x128xf32, #tpu.memory_space<hbm>> -> memref<128x128xf32, #tpu.memory_space<hbm>>
    tpu.enqueue_dma source(%arg6 : memref<128x128xf32, #tpu.memory_space<vmem>>) target(%dma_start3A_27 : memref<128x128xf32, #tpu.memory_space<hbm>>) target_semaphore(%arg14 : memref<!tpu.dma_semaphore, #tpu.memory_space<semaphore_mem>>)
    %dma_start3A_28 = arith.constant 2 : i32
    %dma_start3A_29 = arith.constant 0 : i32
    %dma_start3A_30 = tpu.memref_slice %arg5[%dma_start3A_28, %dma_start3A_29] : memref<200x128xi32, #tpu.memory_space<vmem>> -> memref<1x128xi32, #tpu.memory_space<vmem>>
    %dma_start3A_31 = tpu.memref_squeeze %dma_start3A_30 : memref<1x128xi32, #tpu.memory_space<vmem>> -> memref<128xi32, #tpu.memory_space<vmem>>
    %dma_start3A_32 = arith.constant 0 : i32
    %dma_start3A_33 = arith.constant 0 : i32
    %dma_start3A_34 = tpu.memref_slice %arg3[%dma_start3A_32, %dma_start3A_33] : memref<100000x128xf32, #tpu.memory_space<hbm>> -> memref<100000x128xf32, #tpu.memory_space<hbm>>
    tpu.enqueue_indirect_dma source(%dma_start3A_34 : memref<100000x128xf32, #tpu.memory_space<hbm>>) target(%arg8 : memref<128x128xf32, #tpu.memory_space<vmem>>) offsets(%dma_start3A_31 : memref<128xi32, #tpu.memory_space<vmem>>) semaphore(%arg12 : memref<!tpu.dma_semaphore, #tpu.memory_space<semaphore_mem>>)
    %dma_wait3A_35 = arith.constant 1 : i32
    %dma_wait3A_36 = arith.constant 0 : i32
    %dma_wait3A_37 = tpu.memref_slice %arg5[%dma_wait3A_35, %dma_wait3A_36] : memref<200x128xi32, #tpu.memory_space<vmem>> -> memref<1x128xi32, #tpu.memory_space<vmem>>
    %dma_wait3A_38 = tpu.memref_squeeze %dma_wait3A_37 : memref<1x128xi32, #tpu.memory_space<vmem>> -> memref<128xi32, #tpu.memory_space<vmem>>
    %dma_wait3A_39 = arith.constant 0 : i32
    %dma_wait3A_40 = arith.constant 0 : i32
    %dma_wait3A_41 = tpu.memref_slice %arg3[%dma_wait3A_39, %dma_wait3A_40] : memref<100000x128xf32, #tpu.memory_space<hbm>> -> memref<100000x128xf32, #tpu.memory_space<hbm>>
    tpu.wait_indirect_dma semaphore(%arg11 : memref<!tpu.dma_semaphore, #tpu.memory_space<semaphore_mem>>) src(%dma_wait3A_41 : memref<100000x128xf32, #tpu.memory_space<hbm>>) dst(%arg7 : memref<128x128xf32, #tpu.memory_space<vmem>>)
    %add3A_42 = arith.constant 128 : i32
    %add3A_43 = arith.addi %mul3A_2, %add3A_42 : i32
    %dma_start3A_44 = arith.constant 0 : i32
    %dma_start3A_45 = tpu.memref_slice %arg4[%add3A_43, %dma_start3A_44] : memref<819200x128xf32, #tpu.memory_space<hbm>> -> memref<128x128xf32, #tpu.memory_space<hbm>>
    %dma_start3A_46 = arith.constant 0 : i32
    %dma_start3A_47 = tpu.memref_slice %arg4[%add3A_43, %dma_start3A_46] : memref<819200x128xf32, #tpu.memory_space<hbm>> -> memref<128x128xf32, #tpu.memory_space<hbm>>
    tpu.enqueue_dma source(%arg7 : memref<128x128xf32, #tpu.memory_space<vmem>>) target(%dma_start3A_47 : memref<128x128xf32, #tpu.memory_space<hbm>>) target_semaphore(%arg15 : memref<!tpu.dma_semaphore, #tpu.memory_space<semaphore_mem>>)
    %dma_start3A_48 = arith.constant 3 : i32
    %dma_start3A_49 = arith.constant 0 : i32
    %dma_start3A_50 = tpu.memref_slice %arg5[%dma_start3A_48, %dma_start3A_49] : memref<200x128xi32, #tpu.memory_space<vmem>> -> memref<1x128xi32, #tpu.memory_space<vmem>>
    %dma_start3A_51 = tpu.memref_squeeze %dma_start3A_50 : memref<1x128xi32, #tpu.memory_space<vmem>> -> memref<128xi32, #tpu.memory_space<vmem>>
    %dma_start3A_52 = arith.constant 0 : i32
    %dma_start3A_53 = arith.constant 0 : i32
    %dma_start3A_54 = tpu.memref_slice %arg3[%dma_start3A_52, %dma_start3A_53] : memref<100000x128xf32, #tpu.memory_space<hbm>> -> memref<100000x128xf32, #tpu.memory_space<hbm>>
    tpu.enqueue_indirect_dma source(%dma_start3A_54 : memref<100000x128xf32, #tpu.memory_space<hbm>>) target(%arg9 : memref<128x128xf32, #tpu.memory_space<vmem>>) offsets(%dma_start3A_51 : memref<128xi32, #tpu.memory_space<vmem>>) semaphore(%arg13 : memref<!tpu.dma_semaphore, #tpu.memory_space<semaphore_mem>>)
    %scan3A = arith.constant 0 : i32
    %scan3A_55 = arith.constant 0 : i32
    %scan3A_56 = arith.constant 49 : i32
    %scan3A_57 = arith.addi %scan3A_55, %scan3A_56 : i32
    %scan3A_58 = arith.constant 1 : i32
    scf.for %scan3A_110 = %scan3A_55 to %scan3A_57 step %scan3A_58  : i32 {
      %mul3A_111 = arith.constant 4 : i32
      %mul3A_112 = arith.muli %mul3A_111, %scan3A_110 : i32
      %add3A_113 = arith.constant 2 : i32
      %add3A_114 = arith.addi %mul3A_112, %add3A_113 : i32
      %add3A_115 = arith.constant 0 : i32
      %add3A_116 = arith.addi %add3A_114, %add3A_115 : i32
      %dma_wait3A_117 = arith.constant 0 : i32
      %dma_wait3A_118 = tpu.memref_slice %arg5[%add3A_116, %dma_wait3A_117] : memref<200x128xi32, #tpu.memory_space<vmem>> -> memref<1x128xi32, #tpu.memory_space<vmem>>
      %dma_wait3A_119 = tpu.memref_squeeze %dma_wait3A_118 : memref<1x128xi32, #tpu.memory_space<vmem>> -> memref<128xi32, #tpu.memory_space<vmem>>
      %dma_wait3A_120 = arith.constant 0 : i32
      %dma_wait3A_121 = arith.constant 0 : i32
      %dma_wait3A_122 = tpu.memref_slice %arg3[%dma_wait3A_120, %dma_wait3A_121] : memref<100000x128xf32, #tpu.memory_space<hbm>> -> memref<100000x128xf32, #tpu.memory_space<hbm>>
      tpu.wait_indirect_dma semaphore(%arg12 : memref<!tpu.dma_semaphore, #tpu.memory_space<semaphore_mem>>) src(%dma_wait3A_122 : memref<100000x128xf32, #tpu.memory_space<hbm>>) dst(%arg8 : memref<128x128xf32, #tpu.memory_space<vmem>>)
      %mul3A_123 = arith.constant 128 : i32
      %mul3A_124 = arith.muli %add3A_116, %mul3A_123 : i32
      %add3A_125 = arith.addi %mul3A_2, %mul3A_124 : i32
      %dma_start3A_126 = arith.constant 0 : i32
      %dma_start3A_127 = tpu.memref_slice %arg4[%add3A_125, %dma_start3A_126] : memref<819200x128xf32, #tpu.memory_space<hbm>> -> memref<128x128xf32, #tpu.memory_space<hbm>>
      %dma_start3A_128 = arith.constant 0 : i32
      %dma_start3A_129 = tpu.memref_slice %arg4[%add3A_125, %dma_start3A_128] : memref<819200x128xf32, #tpu.memory_space<hbm>> -> memref<128x128xf32, #tpu.memory_space<hbm>>
      tpu.enqueue_dma source(%arg8 : memref<128x128xf32, #tpu.memory_space<vmem>>) target(%dma_start3A_129 : memref<128x128xf32, #tpu.memory_space<hbm>>) target_semaphore(%arg16 : memref<!tpu.dma_semaphore, #tpu.memory_space<semaphore_mem>>)
      %add3A_130 = arith.constant 2 : i32
      %add3A_131 = arith.addi %add3A_116, %add3A_130 : i32
      %sub3A = arith.constant 4 : i32
      %sub3A_132 = arith.subi %add3A_131, %sub3A : i32
      %mul3A_133 = arith.constant 128 : i32
      %mul3A_134 = arith.muli %sub3A_132, %mul3A_133 : i32
      %add3A_135 = arith.addi %mul3A_2, %mul3A_134 : i32
      %dma_wait3A_136 = arith.constant 0 : i32
      %dma_wait3A_137 = tpu.memref_slice %arg4[%add3A_135, %dma_wait3A_136] : memref<819200x128xf32, #tpu.memory_space<hbm>> -> memref<128x128xf32, #tpu.memory_space<hbm>>
      %dma_wait3A_138 = arith.constant 0 : i32
      %dma_wait3A_139 = tpu.memref_slice %arg4[%add3A_135, %dma_wait3A_138] : memref<819200x128xf32, #tpu.memory_space<hbm>> -> memref<128x128xf32, #tpu.memory_space<hbm>>
      tpu.wait_dma2 semaphore(%arg14 : memref<!tpu.dma_semaphore, #tpu.memory_space<semaphore_mem>>) src(%arg6 : memref<128x128xf32, #tpu.memory_space<vmem>>) dst(%dma_wait3A_139 : memref<128x128xf32, #tpu.memory_space<hbm>>)
      %dma_start3A_140 = arith.constant 0 : i32
      %dma_start3A_141 = tpu.memref_slice %arg5[%add3A_131, %dma_start3A_140] : memref<200x128xi32, #tpu.memory_space<vmem>> -> memref<1x128xi32, #tpu.memory_space<vmem>>
      %dma_start3A_142 = tpu.memref_squeeze %dma_start3A_141 : memref<1x128xi32, #tpu.memory_space<vmem>> -> memref<128xi32, #tpu.memory_space<vmem>>
      %dma_start3A_143 = arith.constant 0 : i32
      %dma_start3A_144 = arith.constant 0 : i32
      %dma_start3A_145 = tpu.memref_slice %arg3[%dma_start3A_143, %dma_start3A_144] : memref<100000x128xf32, #tpu.memory_space<hbm>> -> memref<100000x128xf32, #tpu.memory_space<hbm>>
      tpu.enqueue_indirect_dma source(%dma_start3A_145 : memref<100000x128xf32, #tpu.memory_space<hbm>>) target(%arg6 : memref<128x128xf32, #tpu.memory_space<vmem>>) offsets(%dma_start3A_142 : memref<128xi32, #tpu.memory_space<vmem>>) semaphore(%arg10 : memref<!tpu.dma_semaphore, #tpu.memory_space<semaphore_mem>>)
      %mul3A_146 = arith.constant 4 : i32
      %mul3A_147 = arith.muli %mul3A_146, %scan3A_110 : i32
      %add3A_148 = arith.constant 2 : i32
      %add3A_149 = arith.addi %mul3A_147, %add3A_148 : i32
      %add3A_150 = arith.constant 1 : i32
      %add3A_151 = arith.addi %add3A_149, %add3A_150 : i32
      %dma_wait3A_152 = arith.constant 0 : i32
      %dma_wait3A_153 = tpu.memref_slice %arg5[%add3A_151, %dma_wait3A_152] : memref<200x128xi32, #tpu.memory_space<vmem>> -> memref<1x128xi32, #tpu.memory_space<vmem>>
      %dma_wait3A_154 = tpu.memref_squeeze %dma_wait3A_153 : memref<1x128xi32, #tpu.memory_space<vmem>> -> memref<128xi32, #tpu.memory_space<vmem>>
      %dma_wait3A_155 = arith.constant 0 : i32
      %dma_wait3A_156 = arith.constant 0 : i32
      %dma_wait3A_157 = tpu.memref_slice %arg3[%dma_wait3A_155, %dma_wait3A_156] : memref<100000x128xf32, #tpu.memory_space<hbm>> -> memref<100000x128xf32, #tpu.memory_space<hbm>>
      tpu.wait_indirect_dma semaphore(%arg13 : memref<!tpu.dma_semaphore, #tpu.memory_space<semaphore_mem>>) src(%dma_wait3A_157 : memref<100000x128xf32, #tpu.memory_space<hbm>>) dst(%arg9 : memref<128x128xf32, #tpu.memory_space<vmem>>)
      %mul3A_158 = arith.constant 128 : i32
      %mul3A_159 = arith.muli %add3A_151, %mul3A_158 : i32
      %add3A_160 = arith.addi %mul3A_2, %mul3A_159 : i32
      %dma_start3A_161 = arith.constant 0 : i32
      %dma_start3A_162 = tpu.memref_slice %arg4[%add3A_160, %dma_start3A_161] : memref<819200x128xf32, #tpu.memory_space<hbm>> -> memref<128x128xf32, #tpu.memory_space<hbm>>
      %dma_start3A_163 = arith.constant 0 : i32
      %dma_start3A_164 = tpu.memref_slice %arg4[%add3A_160, %dma_start3A_163] : memref<819200x128xf32, #tpu.memory_space<hbm>> -> memref<128x128xf32, #tpu.memory_space<hbm>>
      tpu.enqueue_dma source(%arg9 : memref<128x128xf32, #tpu.memory_space<vmem>>) target(%dma_start3A_164 : memref<128x128xf32, #tpu.memory_space<hbm>>) target_semaphore(%arg17 : memref<!tpu.dma_semaphore, #tpu.memory_space<semaphore_mem>>)
      %add3A_165 = arith.constant 2 : i32
      %add3A_166 = arith.addi %add3A_151, %add3A_165 : i32
      %sub3A_167 = arith.constant 4 : i32
      %sub3A_168 = arith.subi %add3A_166, %sub3A_167 : i32
      %mul3A_169 = arith.constant 128 : i32
      %mul3A_170 = arith.muli %sub3A_168, %mul3A_169 : i32
      %add3A_171 = arith.addi %mul3A_2, %mul3A_170 : i32
      %dma_wait3A_172 = arith.constant 0 : i32
      %dma_wait3A_173 = tpu.memref_slice %arg4[%add3A_171, %dma_wait3A_172] : memref<819200x128xf32, #tpu.memory_space<hbm>> -> memref<128x128xf32, #tpu.memory_space<hbm>>
      %dma_wait3A_174 = arith.constant 0 : i32
      %dma_wait3A_175 = tpu.memref_slice %arg4[%add3A_171, %dma_wait3A_174] : memref<819200x128xf32, #tpu.memory_space<hbm>> -> memref<128x128xf32, #tpu.memory_space<hbm>>
      tpu.wait_dma2 semaphore(%arg15 : memref<!tpu.dma_semaphore, #tpu.memory_space<semaphore_mem>>) src(%arg7 : memref<128x128xf32, #tpu.memory_space<vmem>>) dst(%dma_wait3A_175 : memref<128x128xf32, #tpu.memory_space<hbm>>)
      %dma_start3A_176 = arith.constant 0 : i32
      %dma_start3A_177 = tpu.memref_slice %arg5[%add3A_166, %dma_start3A_176] : memref<200x128xi32, #tpu.memory_space<vmem>> -> memref<1x128xi32, #tpu.memory_space<vmem>>
      %dma_start3A_178 = tpu.memref_squeeze %dma_start3A_177 : memref<1x128xi32, #tpu.memory_space<vmem>> -> memref<128xi32, #tpu.memory_space<vmem>>
      %dma_start3A_179 = arith.constant 0 : i32
      %dma_start3A_180 = arith.constant 0 : i32
      %dma_start3A_181 = tpu.memref_slice %arg3[%dma_start3A_179, %dma_start3A_180] : memref<100000x128xf32, #tpu.memory_space<hbm>> -> memref<100000x128xf32, #tpu.memory_space<hbm>>
      tpu.enqueue_indirect_dma source(%dma_start3A_181 : memref<100000x128xf32, #tpu.memory_space<hbm>>) target(%arg7 : memref<128x128xf32, #tpu.memory_space<vmem>>) offsets(%dma_start3A_178 : memref<128xi32, #tpu.memory_space<vmem>>) semaphore(%arg11 : memref<!tpu.dma_semaphore, #tpu.memory_space<semaphore_mem>>)
      %mul3A_182 = arith.constant 4 : i32
      %mul3A_183 = arith.muli %mul3A_182, %scan3A_110 : i32
      %add3A_184 = arith.constant 2 : i32
      %add3A_185 = arith.addi %mul3A_183, %add3A_184 : i32
      %add3A_186 = arith.constant 2 : i32
      %add3A_187 = arith.addi %add3A_185, %add3A_186 : i32
      %dma_wait3A_188 = arith.constant 0 : i32
      %dma_wait3A_189 = tpu.memref_slice %arg5[%add3A_187, %dma_wait3A_188] : memref<200x128xi32, #tpu.memory_space<vmem>> -> memref<1x128xi32, #tpu.memory_space<vmem>>
      %dma_wait3A_190 = tpu.memref_squeeze %dma_wait3A_189 : memref<1x128xi32, #tpu.memory_space<vmem>> -> memref<128xi32, #tpu.memory_space<vmem>>
      %dma_wait3A_191 = arith.constant 0 : i32
      %dma_wait3A_192 = arith.constant 0 : i32
      %dma_wait3A_193 = tpu.memref_slice %arg3[%dma_wait3A_191, %dma_wait3A_192] : memref<100000x128xf32, #tpu.memory_space<hbm>> -> memref<100000x128xf32, #tpu.memory_space<hbm>>
      tpu.wait_indirect_dma semaphore(%arg10 : memref<!tpu.dma_semaphore, #tpu.memory_space<semaphore_mem>>) src(%dma_wait3A_193 : memref<100000x128xf32, #tpu.memory_space<hbm>>) dst(%arg6 : memref<128x128xf32, #tpu.memory_space<vmem>>)
      %mul3A_194 = arith.constant 128 : i32
      %mul3A_195 = arith.muli %add3A_187, %mul3A_194 : i32
      %add3A_196 = arith.addi %mul3A_2, %mul3A_195 : i32
      %dma_start3A_197 = arith.constant 0 : i32
      %dma_start3A_198 = tpu.memref_slice %arg4[%add3A_196, %dma_start3A_197] : memref<819200x128xf32, #tpu.memory_space<hbm>> -> memref<128x128xf32, #tpu.memory_space<hbm>>
      %dma_start3A_199 = arith.constant 0 : i32
      %dma_start3A_200 = tpu.memref_slice %arg4[%add3A_196, %dma_start3A_199] : memref<819200x128xf32, #tpu.memory_space<hbm>> -> memref<128x128xf32, #tpu.memory_space<hbm>>
      tpu.enqueue_dma source(%arg6 : memref<128x128xf32, #tpu.memory_space<vmem>>) target(%dma_start3A_200 : memref<128x128xf32, #tpu.memory_space<hbm>>) target_semaphore(%arg14 : memref<!tpu.dma_semaphore, #tpu.memory_space<semaphore_mem>>)
      %add3A_201 = arith.constant 2 : i32
      %add3A_202 = arith.addi %add3A_187, %add3A_201 : i32
      %sub3A_203 = arith.constant 4 : i32
      %sub3A_204 = arith.subi %add3A_202, %sub3A_203 : i32
      %mul3A_205 = arith.constant 128 : i32
      %mul3A_206 = arith.muli %sub3A_204, %mul3A_205 : i32
      %add3A_207 = arith.addi %mul3A_2, %mul3A_206 : i32
      %dma_wait3A_208 = arith.constant 0 : i32
      %dma_wait3A_209 = tpu.memref_slice %arg4[%add3A_207, %dma_wait3A_208] : memref<819200x128xf32, #tpu.memory_space<hbm>> -> memref<128x128xf32, #tpu.memory_space<hbm>>
      %dma_wait3A_210 = arith.constant 0 : i32
      %dma_wait3A_211 = tpu.memref_slice %arg4[%add3A_207, %dma_wait3A_210] : memref<819200x128xf32, #tpu.memory_space<hbm>> -> memref<128x128xf32, #tpu.memory_space<hbm>>
      tpu.wait_dma2 semaphore(%arg16 : memref<!tpu.dma_semaphore, #tpu.memory_space<semaphore_mem>>) src(%arg8 : memref<128x128xf32, #tpu.memory_space<vmem>>) dst(%dma_wait3A_211 : memref<128x128xf32, #tpu.memory_space<hbm>>)
      %dma_start3A_212 = arith.constant 0 : i32
      %dma_start3A_213 = tpu.memref_slice %arg5[%add3A_202, %dma_start3A_212] : memref<200x128xi32, #tpu.memory_space<vmem>> -> memref<1x128xi32, #tpu.memory_space<vmem>>
      %dma_start3A_214 = tpu.memref_squeeze %dma_start3A_213 : memref<1x128xi32, #tpu.memory_space<vmem>> -> memref<128xi32, #tpu.memory_space<vmem>>
      %dma_start3A_215 = arith.constant 0 : i32
      %dma_start3A_216 = arith.constant 0 : i32
      %dma_start3A_217 = tpu.memref_slice %arg3[%dma_start3A_215, %dma_start3A_216] : memref<100000x128xf32, #tpu.memory_space<hbm>> -> memref<100000x128xf32, #tpu.memory_space<hbm>>
      tpu.enqueue_indirect_dma source(%dma_start3A_217 : memref<100000x128xf32, #tpu.memory_space<hbm>>) target(%arg8 : memref<128x128xf32, #tpu.memory_space<vmem>>) offsets(%dma_start3A_214 : memref<128xi32, #tpu.memory_space<vmem>>) semaphore(%arg12 : memref<!tpu.dma_semaphore, #tpu.memory_space<semaphore_mem>>)
      %mul3A_218 = arith.constant 4 : i32
      %mul3A_219 = arith.muli %mul3A_218, %scan3A_110 : i32
      %add3A_220 = arith.constant 2 : i32
      %add3A_221 = arith.addi %mul3A_219, %add3A_220 : i32
      %add3A_222 = arith.constant 3 : i32
      %add3A_223 = arith.addi %add3A_221, %add3A_222 : i32
      %dma_wait3A_224 = arith.constant 0 : i32
      %dma_wait3A_225 = tpu.memref_slice %arg5[%add3A_223, %dma_wait3A_224] : memref<200x128xi32, #tpu.memory_space<vmem>> -> memref<1x128xi32, #tpu.memory_space<vmem>>
      %dma_wait3A_226 = tpu.memref_squeeze %dma_wait3A_225 : memref<1x128xi32, #tpu.memory_space<vmem>> -> memref<128xi32, #tpu.memory_space<vmem>>
      %dma_wait3A_227 = arith.constant 0 : i32
      %dma_wait3A_228 = arith.constant 0 : i32
      %dma_wait3A_229 = tpu.memref_slice %arg3[%dma_wait3A_227, %dma_wait3A_228] : memref<100000x128xf32, #tpu.memory_space<hbm>> -> memref<100000x128xf32, #tpu.memory_space<hbm>>
      tpu.wait_indirect_dma semaphore(%arg11 : memref<!tpu.dma_semaphore, #tpu.memory_space<semaphore_mem>>) src(%dma_wait3A_229 : memref<100000x128xf32, #tpu.memory_space<hbm>>) dst(%arg7 : memref<128x128xf32, #tpu.memory_space<vmem>>)
      %mul3A_230 = arith.constant 128 : i32
      %mul3A_231 = arith.muli %add3A_223, %mul3A_230 : i32
      %add3A_232 = arith.addi %mul3A_2, %mul3A_231 : i32
      %dma_start3A_233 = arith.constant 0 : i32
      %dma_start3A_234 = tpu.memref_slice %arg4[%add3A_232, %dma_start3A_233] : memref<819200x128xf32, #tpu.memory_space<hbm>> -> memref<128x128xf32, #tpu.memory_space<hbm>>
      %dma_start3A_235 = arith.constant 0 : i32
      %dma_start3A_236 = tpu.memref_slice %arg4[%add3A_232, %dma_start3A_235] : memref<819200x128xf32, #tpu.memory_space<hbm>> -> memref<128x128xf32, #tpu.memory_space<hbm>>
      tpu.enqueue_dma source(%arg7 : memref<128x128xf32, #tpu.memory_space<vmem>>) target(%dma_start3A_236 : memref<128x128xf32, #tpu.memory_space<hbm>>) target_semaphore(%arg15 : memref<!tpu.dma_semaphore, #tpu.memory_space<semaphore_mem>>)
      %add3A_237 = arith.constant 2 : i32
      %add3A_238 = arith.addi %add3A_223, %add3A_237 : i32
      %sub3A_239 = arith.constant 4 : i32
      %sub3A_240 = arith.subi %add3A_238, %sub3A_239 : i32
      %mul3A_241 = arith.constant 128 : i32
      %mul3A_242 = arith.muli %sub3A_240, %mul3A_241 : i32
      %add3A_243 = arith.addi %mul3A_2, %mul3A_242 : i32
      %dma_wait3A_244 = arith.constant 0 : i32
      %dma_wait3A_245 = tpu.memref_slice %arg4[%add3A_243, %dma_wait3A_244] : memref<819200x128xf32, #tpu.memory_space<hbm>> -> memref<128x128xf32, #tpu.memory_space<hbm>>
      %dma_wait3A_246 = arith.constant 0 : i32
      %dma_wait3A_247 = tpu.memref_slice %arg4[%add3A_243, %dma_wait3A_246] : memref<819200x128xf32, #tpu.memory_space<hbm>> -> memref<128x128xf32, #tpu.memory_space<hbm>>
      tpu.wait_dma2 semaphore(%arg17 : memref<!tpu.dma_semaphore, #tpu.memory_space<semaphore_mem>>) src(%arg9 : memref<128x128xf32, #tpu.memory_space<vmem>>) dst(%dma_wait3A_247 : memref<128x128xf32, #tpu.memory_space<hbm>>)
      %dma_start3A_248 = arith.constant 0 : i32
      %dma_start3A_249 = tpu.memref_slice %arg5[%add3A_238, %dma_start3A_248] : memref<200x128xi32, #tpu.memory_space<vmem>> -> memref<1x128xi32, #tpu.memory_space<vmem>>
      %dma_start3A_250 = tpu.memref_squeeze %dma_start3A_249 : memref<1x128xi32, #tpu.memory_space<vmem>> -> memref<128xi32, #tpu.memory_space<vmem>>
      %dma_start3A_251 = arith.constant 0 : i32
      %dma_start3A_252 = arith.constant 0 : i32
      %dma_start3A_253 = tpu.memref_slice %arg3[%dma_start3A_251, %dma_start3A_252] : memref<100000x128xf32, #tpu.memory_space<hbm>> -> memref<100000x128xf32, #tpu.memory_space<hbm>>
      tpu.enqueue_indirect_dma source(%dma_start3A_253 : memref<100000x128xf32, #tpu.memory_space<hbm>>) target(%arg9 : memref<128x128xf32, #tpu.memory_space<vmem>>) offsets(%dma_start3A_250 : memref<128xi32, #tpu.memory_space<vmem>>) semaphore(%arg13 : memref<!tpu.dma_semaphore, #tpu.memory_space<semaphore_mem>>)
    }
    %scan3A_59 = arith.constant 49 : i32
    %dma_wait3A_60 = arith.constant 198 : i32
    %dma_wait3A_61 = arith.constant 0 : i32
    %dma_wait3A_62 = tpu.memref_slice %arg5[%dma_wait3A_60, %dma_wait3A_61] : memref<200x128xi32, #tpu.memory_space<vmem>> -> memref<1x128xi32, #tpu.memory_space<vmem>>
    %dma_wait3A_63 = tpu.memref_squeeze %dma_wait3A_62 : memref<1x128xi32, #tpu.memory_space<vmem>> -> memref<128xi32, #tpu.memory_space<vmem>>
    %dma_wait3A_64 = arith.constant 0 : i32
    %dma_wait3A_65 = arith.constant 0 : i32
    %dma_wait3A_66 = tpu.memref_slice %arg3[%dma_wait3A_64, %dma_wait3A_65] : memref<100000x128xf32, #tpu.memory_space<hbm>> -> memref<100000x128xf32, #tpu.memory_space<hbm>>
    tpu.wait_indirect_dma semaphore(%arg12 : memref<!tpu.dma_semaphore, #tpu.memory_space<semaphore_mem>>) src(%dma_wait3A_66 : memref<100000x128xf32, #tpu.memory_space<hbm>>) dst(%arg8 : memref<128x128xf32, #tpu.memory_space<vmem>>)
    %add3A_67 = arith.constant 25344 : i32
    %add3A_68 = arith.addi %mul3A_2, %add3A_67 : i32
    %dma_start3A_69 = arith.constant 0 : i32
    %dma_start3A_70 = tpu.memref_slice %arg4[%add3A_68, %dma_start3A_69] : memref<819200x128xf32, #tpu.memory_space<hbm>> -> memref<128x128xf32, #tpu.memory_space<hbm>>
    %dma_start3A_71 = arith.constant 0 : i32
    %dma_start3A_72 = tpu.memref_slice %arg4[%add3A_68, %dma_start3A_71] : memref<819200x128xf32, #tpu.memory_space<hbm>> -> memref<128x128xf32, #tpu.memory_space<hbm>>
    tpu.enqueue_dma source(%arg8 : memref<128x128xf32, #tpu.memory_space<vmem>>) target(%dma_start3A_72 : memref<128x128xf32, #tpu.memory_space<hbm>>) target_semaphore(%arg16 : memref<!tpu.dma_semaphore, #tpu.memory_space<semaphore_mem>>)
    %dma_wait3A_73 = arith.constant 199 : i32
    %dma_wait3A_74 = arith.constant 0 : i32
    %dma_wait3A_75 = tpu.memref_slice %arg5[%dma_wait3A_73, %dma_wait3A_74] : memref<200x128xi32, #tpu.memory_space<vmem>> -> memref<1x128xi32, #tpu.memory_space<vmem>>
    %dma_wait3A_76 = tpu.memref_squeeze %dma_wait3A_75 : memref<1x128xi32, #tpu.memory_space<vmem>> -> memref<128xi32, #tpu.memory_space<vmem>>
    %dma_wait3A_77 = arith.constant 0 : i32
    %dma_wait3A_78 = arith.constant 0 : i32
    %dma_wait3A_79 = tpu.memref_slice %arg3[%dma_wait3A_77, %dma_wait3A_78] : memref<100000x128xf32, #tpu.memory_space<hbm>> -> memref<100000x128xf32, #tpu.memory_space<hbm>>
    tpu.wait_indirect_dma semaphore(%arg13 : memref<!tpu.dma_semaphore, #tpu.memory_space<semaphore_mem>>) src(%dma_wait3A_79 : memref<100000x128xf32, #tpu.memory_space<hbm>>) dst(%arg9 : memref<128x128xf32, #tpu.memory_space<vmem>>)
    %add3A_80 = arith.constant 25472 : i32
    %add3A_81 = arith.addi %mul3A_2, %add3A_80 : i32
    %dma_start3A_82 = arith.constant 0 : i32
    %dma_start3A_83 = tpu.memref_slice %arg4[%add3A_81, %dma_start3A_82] : memref<819200x128xf32, #tpu.memory_space<hbm>> -> memref<128x128xf32, #tpu.memory_space<hbm>>
    %dma_start3A_84 = arith.constant 0 : i32
    %dma_start3A_85 = tpu.memref_slice %arg4[%add3A_81, %dma_start3A_84] : memref<819200x128xf32, #tpu.memory_space<hbm>> -> memref<128x128xf32, #tpu.memory_space<hbm>>
    tpu.enqueue_dma source(%arg9 : memref<128x128xf32, #tpu.memory_space<vmem>>) target(%dma_start3A_85 : memref<128x128xf32, #tpu.memory_space<hbm>>) target_semaphore(%arg17 : memref<!tpu.dma_semaphore, #tpu.memory_space<semaphore_mem>>)
    %add3A_86 = arith.constant 25088 : i32
    %add3A_87 = arith.addi %mul3A_2, %add3A_86 : i32
    %dma_wait3A_88 = arith.constant 0 : i32
    %dma_wait3A_89 = tpu.memref_slice %arg4[%add3A_87, %dma_wait3A_88] : memref<819200x128xf32, #tpu.memory_space<hbm>> -> memref<128x128xf32, #tpu.memory_space<hbm>>
    %dma_wait3A_90 = arith.constant 0 : i32
    %dma_wait3A_91 = tpu.memref_slice %arg4[%add3A_87, %dma_wait3A_90] : memref<819200x128xf32, #tpu.memory_space<hbm>> -> memref<128x128xf32, #tpu.memory_space<hbm>>
    tpu.wait_dma2 semaphore(%arg14 : memref<!tpu.dma_semaphore, #tpu.memory_space<semaphore_mem>>) src(%arg6 : memref<128x128xf32, #tpu.memory_space<vmem>>) dst(%dma_wait3A_91 : memref<128x128xf32, #tpu.memory_space<hbm>>)
    %add3A_92 = arith.constant 25216 : i32
    %add3A_93 = arith.addi %mul3A_2, %add3A_92 : i32
    %dma_wait3A_94 = arith.constant 0 : i32
    %dma_wait3A_95 = tpu.memref_slice %arg4[%add3A_93, %dma_wait3A_94] : memref<819200x128xf32, #tpu.memory_space<hbm>> -> memref<128x128xf32, #tpu.memory_space<hbm>>
    %dma_wait3A_96 = arith.constant 0 : i32
    %dma_wait3A_97 = tpu.memref_slice %arg4[%add3A_93, %dma_wait3A_96] : memref<819200x128xf32, #tpu.memory_space<hbm>> -> memref<128x128xf32, #tpu.memory_space<hbm>>
    tpu.wait_dma2 semaphore(%arg15 : memref<!tpu.dma_semaphore, #tpu.memory_space<semaphore_mem>>) src(%arg7 : memref<128x128xf32, #tpu.memory_space<vmem>>) dst(%dma_wait3A_97 : memref<128x128xf32, #tpu.memory_space<hbm>>)
    %add3A_98 = arith.constant 25344 : i32
    %add3A_99 = arith.addi %mul3A_2, %add3A_98 : i32
    %dma_wait3A_100 = arith.constant 0 : i32
    %dma_wait3A_101 = tpu.memref_slice %arg4[%add3A_99, %dma_wait3A_100] : memref<819200x128xf32, #tpu.memory_space<hbm>> -> memref<128x128xf32, #tpu.memory_space<hbm>>
    %dma_wait3A_102 = arith.constant 0 : i32
    %dma_wait3A_103 = tpu.memref_slice %arg4[%add3A_99, %dma_wait3A_102] : memref<819200x128xf32, #tpu.memory_space<hbm>> -> memref<128x128xf32, #tpu.memory_space<hbm>>
    tpu.wait_dma2 semaphore(%arg16 : memref<!tpu.dma_semaphore, #tpu.memory_space<semaphore_mem>>) src(%arg8 : memref<128x128xf32, #tpu.memory_space<vmem>>) dst(%dma_wait3A_103 : memref<128x128xf32, #tpu.memory_space<hbm>>)
    %add3A_104 = arith.constant 25472 : i32
    %add3A_105 = arith.addi %mul3A_2, %add3A_104 : i32
    %dma_wait3A_106 = arith.constant 0 : i32
    %dma_wait3A_107 = tpu.memref_slice %arg4[%add3A_105, %dma_wait3A_106] : memref<819200x128xf32, #tpu.memory_space<hbm>> -> memref<128x128xf32, #tpu.memory_space<hbm>>
    %dma_wait3A_108 = arith.constant 0 : i32
    %dma_wait3A_109 = tpu.memref_slice %arg4[%add3A_105, %dma_wait3A_108] : memref<819200x128xf32, #tpu.memory_space<hbm>> -> memref<128x128xf32, #tpu.memory_space<hbm>>
    tpu.wait_dma2 semaphore(%arg17 : memref<!tpu.dma_semaphore, #tpu.memory_space<semaphore_mem>>) src(%arg9 : memref<128x128xf32, #tpu.memory_space<vmem>>) dst(%dma_wait3A_109 : memref<128x128xf32, #tpu.memory_space<hbm>>)
    return
  }
}

</mosaic_0001>

<sc_bundles>
// kernel: kernel.3.cloned.1.call-start
scs
__scs_entry_jumppad:
0x0: {  	(pc) =	sbr.rel $0x88, $3  }
0x1: {  	(tag) =	ssettag $0x0;
	lr =	simm.s32 $0x1  }
0x2: {  	[smem:$0x3F9F] =	sst lr;
	_ =	strace $0xD0000000  }
0x3: {  	_ = 	snop  }
0x4: {  	_ = 	snop  }
0x5: {  	_ = 	snop  }
0x6: {  	_ = 	snop  }
0x7: {  	_ = 	snop  }
__scs_overlays_trampoline_lowered:
0x8: {  	[smem:$0x3FAE] =	sst s0  }
0x9: {  	[smem:$0x3FAF] =	sst s1  }
0xa: {  	[smem:$0x3FB0] =	sst s2  }
0xb: {  	[smem:$0x3FB1] =	sst s3  }
0xc: {  	[smem:$0x3FB2] =	sst s4  }
0xd: {  	[smem:$0x3FB3] =	sst s5  }
0xe: {  	[smem:$0x3FB4] =	sst s6  }
0xf: {  	[smem:$0x3FB5] =	sst s7  }
0x10: {  	[smem:$0x3FB6] =	sst s8  }
0x11: {  	[smem:$0x3FB7] =	sst s9;
	s0 =	simm.s32 @!p0 $0x0  }
0x12: {  	s1 =	sld [smem:$0x3F9D];
	s0 =	simm.s32 @p0 $0x1  }
0x13: {  	[smem:$0x3FB8] =	sst s0;
	s0 =	simm.s32 @!p1 $0x0  }
0x14: {  	s2 =	sld [smem:$0x3F9C];
	s0 =	simm.s32 @p1 $0x1  }
0x15: {  	[smem:$0x3FB9] =	sst s0;
	s0 =	simm.s32 @!p2 $0x0  }
0x16: {  	s3 =	sld [smem:$0x3FDB];
	s0 =	simm.s32 @p2 $0x1  }
0x17: {  	s4 =	simm.s32 $0x1BF5;
	[smem:$0x3FBB] =	sst s0  }
0x18: {  	s0 =	sld [smem:$0x3F9E];
	_ =	swait.ge [sflag:s4], $0x0  }
0x19: {  	s7 =	sld [smem:$0x3F9F]  }
0x1a: {  	s8 =	sadd.s32 $0xFFFFE003, lr  }
0x1b: {  	s9 =	sadd.s32 $0xFFFFFEF7, lr;
	s5 =	simm.s32 $0xFFFFFFFF;
	p2 =	slt.u32 s8, $0xFFFFF086  }
0x1c: {  	p1 =	slt.u32 s9, $0xF7A;
	s5 =	simm.s32 @!p2 $0x0  }
0x1d: {  	s5 =	simm.s32 @p1 $0x1;
	p0 =	seq.s32 s7, s2  }
0x1e: {  	s7 =	smul.u32 @!p0 $0xF7A, s2;
	p2 =	seq.s32 @!p0 s5, $0x0  }
0x1f: {  	s9 =	smul.u32 $0xF7A, s1;
	s8 =	simm.s32 @!p0 $0x1BF5;
	p2 =	por !p2, p0  }
0x20: {  	[sflag:s8] =	ssyncset.s32 @!p0 $0xFFFFF086;
	s6 =	sadd.s32 @!p0 s3, s7;
	s7 =	simm.s32 @!p0 $0x108  }
0x21: {  	s3 =	sadd.s32 s3, s9;
	s6 =	sadd.s32 @!p0 $0x88, s6;
	s7 =	simm.s32 @p2 $0x1082  }
0x22: {  	[simem:s7], [sflag:s8] =	dma.local @!p0 [hbm:s6], $0xF7A  }
0x23: {  	s9 =	sor.u32 $0xD0000000, s2;
	s6 =	simm.s32 $0x108;
	_ =	swait.ge @!p0 [sflag:s8], $0x0  }
0x24: {  	s3 =	sadd.s32 $0x88, s3;
	s6 =	simm.s32 @!p1 $0x1082;
	[sflag:s4] =	ssyncset.s32 $0xFFFFF086  }
0x25: {  	[simem:s6], [sflag:s4] =	dma.local [hbm:s3], $0xF7A  }
0x26: {  	[smem:$0x3F9F] =	sst s1;
	(tag) =	ssettag s2;
	_ =	strace s9  }
0x27: {  	s1 =	sld [smem:$0x3FAF]  }
0x28: {  	s2 =	sld [smem:$0x3FB0]  }
0x29: {  	s4 =	sld [smem:$0x3FB2]  }
0x2a: {  	p0 =	seq.s32 s5, $0x0;
	s5 =	sld [smem:$0x3FB3]  }
0x2b: {  	s6 =	sld [smem:$0x3FB4]  }
0x2c: {  	s7 =	sld [smem:$0x3FB5]  }
0x2d: {  	s3 =	simm.s32 $0x108;
	s8 =	sld [smem:$0x3FB6]  }
0x2e: {  	s3 =	simm.s32 @!p0 $0x1082;
	s9 =	sld [smem:$0x3FB7]  }
0x2f: {  	lr =	sadd.s32 s0, s3;
	s0 =	sld [smem:$0x3FAE]  }
0x30: {  	s3 =	sld [smem:$0x3FB1]  }
0x31: {  	[smem:$0x3FBA] =	sst s10  }
0x32: {  	s10 =	sld [smem:$0x3FB8];
	_ =	sdelay $0x3  }
0x33: {  	p0 =	seq.s32 s10, $0x1;
	s10 =	sld [smem:$0x3FBA];
	_ =	sdelay $0x3  }
0x34: {  	[smem:$0x3FBA] =	sst s10  }
0x35: {  	s10 =	sld [smem:$0x3FB9];
	_ =	sdelay $0x3  }
0x36: {  	p1 =	seq.s32 s10, $0x1;
	s10 =	sld [smem:$0x3FBA];
	_ =	sdelay $0x3  }
0x37: {  	[smem:$0x3FBA] =	sst s10  }
0x38: {  	s10 =	sld [smem:$0x3FBB]  }
0x39: {  	_ = 	snop;
	(pc) =	sbr.ind lr, $3  }
0x3a: {  	_ = 	snop  }
0x3b: {  	_ = 	snop  }
0x3c: {  	p2 =	seq.s32 s10, $0x1;
	s10 =	sld [smem:$0x3FBA]  }
0x3d: {  	_ =	shalt  }
0x3e: {  	_ =	shalt  }
0x3f: {  	_ =	shalt  }
0x40: {  	_ =	shalt  }
0x41: {  	_ =	shalt  }
0x42: {  	_ =	shalt  }
0x43: {  	_ =	shalt  }
0x44: {  	_ =	shalt  }
0x45: {  	_ =	shalt  }
0x46: {  	_ =	shalt  }
0x47: {  	_ =	shalt  }
0x48: {  	_ =	shalt  }
0x49: {  	_ =	shalt  }
0x4a: {  	_ =	shalt  }
0x4b: {  	_ =	shalt  }
0x4c: {  	_ =	shalt  }
0x4d: {  	_ =	shalt  }
0x4e: {  	_ =	shalt  }
0x4f: {  	_ =	shalt  }
0x50: {  	_ =	shalt  }
0x51: {  	_ =	shalt  }
0x52: {  	_ =	shalt  }
0x53: {  	_ =	shalt  }
0x54: {  	_ =	shalt  }
0x55: {  	_ =	shalt  }
0x56: {  	_ =	shalt  }
0x57: {  	_ =	shalt  }
0x58: {  	_ =	shalt  }
0x59: {  	_ =	shalt  }
0x5a: {  	_ =	shalt  }
0x5b: {  	_ =	shalt  }
0x5c: {  	_ =	shalt  }
0x5d: {  	_ =	shalt  }
0x5e: {  	_ =	shalt  }
0x5f: {  	_ =	shalt  }
0x60: {  	_ =	shalt  }
0x61: {  	_ =	shalt  }
0x62: {  	_ =	shalt  }
0x63: {  	_ =	shalt  }
0x64: {  	_ =	shalt  }
0x65: {  	_ =	shalt  }
0x66: {  	_ =	shalt  }
0x67: {  	_ =	shalt  }
0x68: {  	_ =	shalt  }
0x69: {  	_ =	shalt  }
0x6a: {  	_ =	shalt  }
0x6b: {  	_ =	shalt  }
0x6c: {  	_ =	shalt  }
0x6d: {  	_ =	shalt  }
0x6e: {  	_ =	shalt  }
0x6f: {  	_ =	shalt  }
0x70: {  	_ =	shalt  }
0x71: {  	_ =	shalt  }
0x72: {  	_ =	shalt  }
0x73: {  	_ =	shalt  }
0x74: {  	_ =	shalt  }
0x75: {  	_ =	shalt  }
0x76: {  	_ =	shalt  }
0x77: {  	_ =	shalt  }
0x78: {  	_ =	shalt  }
0x79: {  	_ =	shalt  }
0x7a: {  	_ =	shalt  }
0x7b: {  	_ =	shalt  }
0x7c: {  	_ =	shalt  }
0x7d: {  	_ =	shalt  }
0x7e: {  	_ =	shalt  }
0x7f: {  	_ =	shalt  }
0x80: {  	_ =	shalt  }
0x81: {  	_ =	shalt  }
0x82: {  	_ =	shalt  }
0x83: {  	_ =	shalt  }
0x84: {  	_ =	shalt  }
0x85: {  	_ =	shalt  }
0x86: {  	_ =	shalt  }
0x87: {  	_ =	shalt  }
.Lfunc_end0:
.L_simem_size_0:
called_computation_lowered:
.L_overlay_start_0:
0x88: {  	s2 =	sld [smem:$0x3FD9]  }
0x89: {  	s3 =	sld [smem:$0x3FFE];
	_ =	sdelay $0x1  }
0x8a: {  	s1 =	srdreg.scid  }
0x8b: {  	s0 =	sand.u32 $0x1, s1  }
0x8c: {  	s17 =	sshll.u32 s0, $0xA;
	s2 =	sadd.s32 s3, s2  }
0x8d: {  	s2 =	sadd.s32 s2, s17  }
0x8e: {  	[smem:$0x3FC6] =	sst s2  }
0x8f: {  	_ = 	snop  }
0x90: {  	s2 =	sld [smem:$0x3FC8]  }
0x91: {  	s18 =	sld [smem:$0x3FD0];
	(tm) =	ssettm $0x1  }
0x92: {  	s4 =	sld [smem:$0x3FFB];
	_ =	sdelay $0x3  }
0x93: {  	_ =	strace s4  }
0x94: {  	s4 =	sld [smem:$0x3FFC];
	_ =	sdelay $0x3  }
0x95: {  	_ =	strace s4  }
0x96: {  	s4 =	sld [smem:$0x3FFD];
	_ =	sdelay $0x3  }
0x97: {  	_ =	strace s4  }
0x98: {  	_ =	strace $0x8FFFFFFF  }
0x99: {  	s19 =	sld [smem:$0x3FDB];
	_ =	sdelay $0x1  }
0x9a: {  	s5 =	simm.s32 $_scs_section_size  }
0x9b: {  	s6 =	simm.s32 $_size__tile_overlayer_lowered;
	s7 =	simm.s32 $_tile_overlayer_lowered  }
0x9c: {  	s22 =	simm.s32 $0x1BFF;
	s21 =	sshll.u32 s7, $0x1;
	s4 =	sadd.s32 s5, s19  }
0x9d: {  	s8 =	simm.s32 $0x0;
	s20 =	sshll.u32 s6, $0x1;
	s6 =	sadd.s32 s21, s4  }
0x9e: {  	[timem:s8], [sflag:s22] =	dma.local [hbm:s6], s20  }
0x9f: {  	_ =	swait.ge [sflag:s22], s20  }
0xa0: {  	s5 =	ssub.s32 $0x0, s20;
	[sflag:s22] =	ssyncset.done $0x0  }
0xa1: {  	[sflag:s22] =	ssyncadd.s32 s5;
	_ =	sdelay $0x1  }
0xa2: {  	s23 =	simm.s32 $0x1B8B  }
0xa3: {  	_ =	swait.ge [sflag:s23], $0x1  }
0xa4: {  	[sflag:s23] =	ssyncset.done $0x0  }
0xa5: {  	s25 =	simm.s32 $0x1B8E;
	s24 =	sld [smem:$0x3FFE];
	[sflag:s23] =	ssyncadd.s32 $0xFFFFFFFF  }
0xa6: {  	s26 =	simm.s32 $execute0_lowered;
	[smem:$0x3FD2] =	sst s25  }
0xa7: {  	s6 =	sshll.u32 s26, $0x1;
	_ =	strace $0x80000046;
	[dreg:$0x1] =	wrdreg $0xFFFFFFFF  }
0xa8: {  	s28 =	simm.s32 $_size_execute0_lowered;
	s4 =	sadd.s32 s4, s6;
	[dreg:$0x0] =	wrdreg $0x0  }
0xa9: {  	s6 =	sshll.u32 s28, $0x1;
	[dreg:$0x2] =	wrdreg s4  }
0xaa: {  	[dreg:$0x3] =	wrdreg s6  }
0xab: {  	[dreg:$0x4] =	wrdreg $0xC0  }
0xac: {  	_ =	task [dreg:s8], $0x5FFFF  }
0xad: {  	[dreg:$0x1] =	wrdreg $0xFFFFFFFF  }
0xae: {  	[dreg:$0x0] =	wrdreg $0x60  }
0xaf: {  	[dreg:$0x2] =	wrdreg s24  }
0xb0: {  	[dreg:$0x3] =	wrdreg s2  }
0xb1: {  	[dreg:$0x4] =	wrdreg s18  }
0xb2: {  	[dreg:$0x5] =	wrdreg $0x9  }
0xb3: {  	_ =	task.clear_ibuf [dreg:s8], $0x6FFFF;
	_ =	strace $0x90000046  }
0xb4: {  	s29 =	simm.s32 $0x9;
	_ =	strace $0x80000048  }
0xb5: {  	_ =	swait.ge [sflag:s29], $0x1  }
0xb6: {  	[sflag:s29] =	ssyncadd.s32 $0xFFFFFFFF  }
0xb7: {  	_ =	strace $0x90000048  }
0xb8: {  	_ =	sfence  }
0xb9: {  	s30 =	sld [smem:$0x0];
	_ =	sdelay $0x2  }
0xba: {  	s31 =	sshll.u32 s1, $0xD;
	s1 =	sshrl.u32 s1, $0x2  }
0xbb: {  	s3 =	sand.u32 $0x4000, s31;
	s1 =	sadd.s32 s1, s30  }
0xbc: {  	s0 =	sor.u32 s3, s0;
	s1 =	sshll.u32 s1, $0x11  }
0xbd: {  	s0 =	sor.u32 s1, s0  }
0xbe: {  	s0 =	sadd.s32 $0x8F2B, s0  }
0xbf: {  	[sflag:s0] =	ssyncadd.remote.s32 $0x1  }
0xc0: {  	_ =	sfence.sel $0xFFFF  }
0xc1: {  	[dreg:$0x0] =	wrdreg $0xFFFFFFFF;
	(pc) =	sbr.abs _section_cstart, $3  }
0xc2: {  	[dreg:$0x1] =	wrdreg $0xFFFFFFFF  }
0xc3: {  	_ =	task.clear_ibuf [dreg:s8], $0x2FFFF;
	_ =	strace $0x9FFFFFFF  }
0xc4: {  	(tm) =	ssettm $0x7FFFFFFF  }
0xc5: {  	_ =	shalt  }
tec
execute0_lowered:
.L_overlay_start_1:
0x0: {  	(tag) =	ssettag $0x1  }
0x1: {  	s4 =	rddreg [dreg:$0x0]  }
0x2: {  	s2 =	rddreg [dreg:$0x1]  }
0x3: {  	s1 =	srdreg.scid;
	s0 =	stileid.u32  }
0x4: {  	s8 =	rddreg [dreg:$0x2];
	s3 =	simm.s32 $0x0;
	s13 =	simm.s32 $0x6400  }
0x5: {  	s14 =	simm.s32 $0xA400;
	s15 =	simm.s32 $0x1;
	s16 =	simm.s32 $0x100  }
0x6: {  	s17 =	simm.s32 $0xE400;
	s18 =	simm.s32 $0x2;
	s19 =	simm.s32 $0x180  }
0x7: {  	s20 =	simm.s32 $0x12400;
	s21 =	simm.s32 $0x3;
	s22 =	simm.s32 $0x5  }
0x8: {  	s23 =	simm.s32 $0x4;
	s24 =	simm.s32 $0x6;
	s25 =	simm.s32 $0x7  }
0x9: {  	s6 =	sand.u32 $0x1, s1;
	s5 =	sshll.u32 s0, $0x1;
	s31 =	smul.u32 $0xC8000, s0  }
0xa: {  	s26 =	simm.s32 $0x8;
	s5 =	sor.u32 s6, s5;
	s12 =	smul.u32 $0x64000, s6  }
0xb: {  	s28 =	simm.s32 $0x0;
	s9 =	ssub.s32 $0x2, s6;
	s7 =	smul.u32 $0x6400, s5  }
0xc: {  	[smem:$0x7FF] =	sst s3;
	s10 =	sshrl.u32 s9, $0x1;
	s11 =	smul.u32 $0x320000, s5  }
0xd: {  	_ =	strace $0x80000047;
	s5 =	smul.u32 $0x64000, s5;
	s9 =	ssub.s32 s9, s10  }
0xe: {  	s10 =	sadd.s32 s31, s8;
	s7 =	sshrl.u32 s7, $0x3;
	s30 =	sshrl.u32 s11, $0x3  }
0xf: {  	s5 =	sadd.s32 s8, s5;
	s9 =	smax.u32 s9, $0x1;
	s10 =	sadd.s32 s12, s10  }
0x10: {  	s12 =	simm.s32 $0x80;
	s4 =	sadd.s32 s7, s4;
	s11 =	sadd.s32 s8, s30  }
0x11: {  	s6 =	sadd.s32 $0x800, s5;
	s10 =	sadd.s32 $0x1800, s10;
	s4 =	sadd.s32 $0x400, s4  }
0x12: {  	s7 =	sadd.s32 $0x63000, s11;
	s8 =	sadd.s32 $0x63800, s11;
	s11 =	simm.s32 $0x9  }
.LBB2_1:
0x13: {  	[tilespmem:s3], [sflag:$0x9] =	stream.linear.gather [hbm4b:s4+s3], $0x6400, $0x38;
	[tilespmem:$0x16400] =	vst v63  }
0x14: {  	_ =	swait.ge [sflag:s11], $0x6400  }
0x15: {  	[sflag:s11] =	ssyncset.done $0x0  }
0x16: {  	[sflag:s11] =	ssyncadd.s32 $0xFFFF9C00  }
0x17: {  	[tilespmem:s13], [sflag:$0x1] =	stream.indirect.gather [hbm4b:s2+s12], $0x80, s3, s12, $0xb8;
	[tilespmem:$0x16400] =	vst v63  }
0x18: {  	_ = 	snop  }
0x19: {  	[tilespmem:s14], [sflag:$0x2] =	stream.indirect.gather [hbm4b:s2+s12], $0x80, s12, s12, $0xb8;
	[tilespmem:$0x16400] =	vst v63  }
0x1a: {  	_ =	swait.ge [sflag:s15], $0x4000  }
0x1b: {  	[sflag:s15] =	ssyncset.done $0x0  }
0x1c: {  	[sflag:s15] =	ssyncadd.s32 $0xFFFFC000  }
0x1d: {  	[hbm4b:s5+s3] =	stream.linear.scatter [tilespmem:s13], [sflag:$0x5], $0x4000, $0x38;
	[tilespmem:$0x16400] =	vst v63  }
0x1e: {  	_ = 	snop  }
0x1f: {  	[tilespmem:s17], [sflag:$0x3] =	stream.indirect.gather [hbm4b:s2+s12], $0x80, s16, s12, $0xb8;
	[tilespmem:$0x16400] =	vst v63  }
0x20: {  	_ =	swait.ge [sflag:s18], $0x4000  }
0x21: {  	[sflag:s18] =	ssyncset.done $0x0  }
0x22: {  	[sflag:s18] =	ssyncadd.s32 $0xFFFFC000  }
0x23: {  	[hbm4b:s6+s3] =	stream.linear.scatter [tilespmem:s14], [sflag:$0x6], $0x4000, $0x38;
	[tilespmem:$0x16400] =	vst v63  }
0x24: {  	_ = 	snop  }
0x25: {  	[tilespmem:s20], [sflag:$0x4] =	stream.indirect.gather [hbm4b:s2+s12], $0x80, s19, s12, $0xb8;
	[tilespmem:$0x16400] =	vst v63  }
0x26: {  	_ =	swait.ge [sflag:s21], $0x4000  }
0x27: {  	[sflag:s21] =	ssyncset.done $0x0  }
0x28: {  	s29 =	sadd.s32 $0xFFFFF800, s10;
	[sflag:s21] =	ssyncadd.s32 $0xFFFFC000  }
0x29: {  	[hbm4b:s29+s3] =	stream.linear.scatter [tilespmem:s17], [sflag:$0x7], $0x4000, $0x38;
	[tilespmem:$0x16400] =	vst v63  }
0x2a: {  	_ =	swait.ge [sflag:s22], $0x4000  }
0x2b: {  	[sflag:s22] =	ssyncset.done $0x0  }
0x2c: {  	s29 =	simm.s32 $0x200;
	[sflag:s22] =	ssyncadd.s32 $0xFFFFC000  }
0x2d: {  	[tilespmem:s13], [sflag:$0x1] =	stream.indirect.gather [hbm4b:s2+s12], $0x80, s29, s12, $0xb8;
	[tilespmem:$0x16400] =	vst v63  }
0x2e: {  	_ =	swait.ge [sflag:s23], $0x4000  }
0x2f: {  	[sflag:s23] =	ssyncset.done $0x0  }
0x30: {  	[sflag:s23] =	ssyncadd.s32 $0xFFFFC000  }
0x31: {  	[hbm4b:s10+s3] =	stream.linear.scatter [tilespmem:s20], [sflag:$0x8], $0x4000, $0x38;
	[tilespmem:$0x16400] =	vst v63  }
0x32: {  	_ =	swait.ge [sflag:s24], $0x4000  }
0x33: {  	[sflag:s24] =	ssyncset.done $0x0  }
0x34: {  	s29 =	simm.s32 $0x280;
	[sflag:s24] =	ssyncadd.s32 $0xFFFFC000  }
0x35: {  	[tilespmem:s14], [sflag:$0x2] =	stream.indirect.gather [hbm4b:s2+s12], $0x80, s29, s12, $0xb8;
	[tilespmem:$0x16400] =	vst v63  }
0x36: {  	_ =	swait.ge [sflag:s15], $0x4000  }
0x37: {  	[sflag:s15] =	ssyncset.done $0x0  }
0x38: {  	s29 =	sadd.s32 $0x800, s10;
	[sflag:s15] =	ssyncadd.s32 $0xFFFFC000  }
0x39: {  	[hbm4b:s29+s3] =	stream.linear.scatter [tilespmem:s13], [sflag:$0x5], $0x4000, $0x38;
	[tilespmem:$0x16400] =	vst v63  }
0x3a: {  	_ =	swait.ge [sflag:s25], $0x4000  }
0x3b: {  	[sflag:s25] =	ssyncset.done $0x0  }
0x3c: {  	s29 =	simm.s32 $0x300;
	[sflag:s25] =	ssyncadd.s32 $0xFFFFC000  }
0x3d: {  	[tilespmem:s17], [sflag:$0x3] =	stream.indirect.gather [hbm4b:s2+s12], $0x80, s29, s12, $0xb8;
	[tilespmem:$0x16400] =	vst v63  }
0x3e: {  	_ =	swait.ge [sflag:s18], $0x4000  }
0x3f: {  	[sflag:s18] =	ssyncset.done $0x0  }
0x40: {  	s29 =	sadd.s32 $0x1000, s10;
	[sflag:s18] =	ssyncadd.s32 $0xFFFFC000  }
0x41: {  	[hbm4b:s29+s3] =	stream.linear.scatter [tilespmem:s14], [sflag:$0x6], $0x4000, $0x38;
	[tilespmem:$0x16400] =	vst v63  }
0x42: {  	_ =	swait.ge [sflag:s26], $0x4000  }
0x43: {  	s31 =	simm.s32 $0x380;
	[sflag:s26] =	ssyncset.done $0x0  }
0x44: {  	s30 =	sadd.s32 $0x2000, s10;
	s29 =	simm.s32 $0x800;
	[sflag:s26] =	ssyncadd.s32 $0xFFFFC000  }
.LBB2_2:
0x45: {  	[tilespmem:s20], [sflag:$0x4] =	stream.indirect.gather [hbm4b:s2+s12], $0x80, s31, s12, $0xb8;
	[tilespmem:$0x16400] =	vst v63  }
0x46: {  	s31 =	smov.u32 s29  }
0x47: {  	p0 =	sne.s32 s29, $0x18000;
	s29 =	sadd.s32 $0x800, s29;
	_ =	swait.ge [sflag:s21], $0x4000  }
0x48: {  	[sflag:s21] =	ssyncset.done $0x0  }
0x49: {  	s1 =	sadd.s32 $0xFFFFF800, s30;
	[sflag:s21] =	ssyncadd.s32 $0xFFFFC000  }
0x4a: {  	[hbm4b:s1+s3] =	stream.linear.scatter [tilespmem:s17], [sflag:$0x7], $0x4000, $0x38;
	[tilespmem:$0x16400] =	vst v63  }
0x4b: {  	_ =	swait.ge [sflag:s22], $0x4000  }
0x4c: {  	s1 =	sshra.s32 s31, $0x2;
	[sflag:s22] =	ssyncset.done $0x0  }
0x4d: {  	s31 =	sadd.s32 $0x200, s1;
	[sflag:s22] =	ssyncadd.s32 $0xFFFFC000  }
0x4e: {  	[tilespmem:s13], [sflag:$0x1] =	stream.indirect.gather [hbm4b:s2+s12], $0x80, s31, s12, $0xb8;
	[tilespmem:$0x16400] =	vst v63  }
0x4f: {  	_ =	swait.ge [sflag:s23], $0x4000  }
0x50: {  	[sflag:s23] =	ssyncset.done $0x0  }
0x51: {  	[sflag:s23] =	ssyncadd.s32 $0xFFFFC000  }
0x52: {  	[hbm4b:s30+s3] =	stream.linear.scatter [tilespmem:s20], [sflag:$0x8], $0x4000, $0x38;
	[tilespmem:$0x16400] =	vst v63  }
0x53: {  	_ =	swait.ge [sflag:s24], $0x4000  }
0x54: {  	[sflag:s24] =	ssyncset.done $0x0  }
0x55: {  	s31 =	sadd.s32 $0x280, s1;
	[sflag:s24] =	ssyncadd.s32 $0xFFFFC000  }
0x56: {  	[tilespmem:s14], [sflag:$0x2] =	stream.indirect.gather [hbm4b:s2+s12], $0x80, s31, s12, $0xb8;
	[tilespmem:$0x16400] =	vst v63  }
0x57: {  	_ =	swait.ge [sflag:s15], $0x4000  }
0x58: {  	[sflag:s15] =	ssyncset.done $0x0  }
0x59: {  	s31 =	sadd.s32 $0x800, s30;
	[sflag:s15] =	ssyncadd.s32 $0xFFFFC000  }
0x5a: {  	[hbm4b:s31+s3] =	stream.linear.scatter [tilespmem:s13], [sflag:$0x5], $0x4000, $0x38;
	[tilespmem:$0x16400] =	vst v63  }
0x5b: {  	_ =	swait.ge [sflag:s25], $0x4000  }
0x5c: {  	[sflag:s25] =	ssyncset.done $0x0  }
0x5d: {  	s31 =	sadd.s32 $0x300, s1;
	[sflag:s25] =	ssyncadd.s32 $0xFFFFC000  }
0x5e: {  	[tilespmem:s17], [sflag:$0x3] =	stream.indirect.gather [hbm4b:s2+s12], $0x80, s31, s12, $0xb8;
	[tilespmem:$0x16400] =	vst v63  }
0x5f: {  	_ =	swait.ge [sflag:s18], $0x4000  }
0x60: {  	[sflag:s18] =	ssyncset.done $0x0  }
.Ltmp0:
0x61: {  	s31 =	sadd.s32 $0x1000, s30;
	[sflag:s18] =	ssyncadd.s32 $0xFFFFC000;
	(pc) =	sbr.rel @p0 .LBB2_2-.Ltmp0, $4  }
0x62: {  	[hbm4b:s31+s3] =	stream.linear.scatter [tilespmem:s14], [sflag:$0x6], $0x4000, $0x38;
	[tilespmem:$0x16400] =	vst v63  }
0x63: {  	_ =	swait.ge [sflag:s26], $0x4000  }
0x64: {  	[sflag:s26] =	ssyncset.done $0x0  }
0x65: {  	s30 =	sadd.s32 $0x2000, s30;
	s31 =	sadd.s32 $0x380, s1;
	[sflag:s26] =	ssyncadd.s32 $0xFFFFC000  }
0x66: {  	[tilespmem:s20], [sflag:$0x4] =	stream.indirect.gather [hbm4b:s2+s12], $0x80, s31, s12, $0xb8;
	[tilespmem:$0x16400] =	vst v63  }
0x67: {  	_ =	swait.ge [sflag:s21], $0x4000  }
0x68: {  	[sflag:s21] =	ssyncset.done $0x0  }
0x69: {  	[sflag:s21] =	ssyncadd.s32 $0xFFFFC000  }
0x6a: {  	[hbm4b:s7+s3] =	stream.linear.scatter [tilespmem:s17], [sflag:$0x7], $0x4000, $0x38;
	[tilespmem:$0x16400] =	vst v63  }
0x6b: {  	_ =	swait.ge [sflag:s23], $0x4000  }
0x6c: {  	[sflag:s23] =	ssyncset.done $0x0  }
0x6d: {  	[sflag:s23] =	ssyncadd.s32 $0xFFFFC000  }
0x6e: {  	[hbm4b:s8+s3] =	stream.linear.scatter [tilespmem:s20], [sflag:$0x8], $0x4000, $0x38;
	[tilespmem:$0x16400] =	vst v63  }
0x6f: {  	_ =	swait.ge [sflag:s22], $0x4000  }
0x70: {  	[sflag:s22] =	ssyncset.done $0x0  }
0x71: {  	[sflag:s22] =	ssyncadd.s32 $0xFFFFC000  }
0x72: {  	_ =	swait.ge [sflag:s24], $0x4000  }
0x73: {  	[sflag:s24] =	ssyncset.done $0x0  }
0x74: {  	s28 =	sadd.s32 $0x1, s28;
	[sflag:s24] =	ssyncadd.s32 $0xFFFFC000  }
0x75: {  	p0 =	sne.s32 s28, s9;
	_ =	swait.ge [sflag:s25], $0x4000  }
.Ltmp1:
0x76: {  	[sflag:s25] =	ssyncset.done $0x0;
	(pc) =	sbr.rel @p0 .LBB2_1-.Ltmp1, $4  }
0x77: {  	[sflag:s25] =	ssyncadd.s32 $0xFFFFC000  }
0x78: {  	_ =	swait.ge [sflag:s26], $0x4000  }
0x79: {  	[sflag:s26] =	ssyncset.done $0x0  }
0x7a: {  	[sflag:s26] =	ssyncadd.s32 $0xFFFFC000  }
0x7b: {  	_ =	sfence.sel $0x180000  }
0x7c: {  	[bflag:$0x0] =	sbarrier.arrive $0xFFFF  }
0x7d: {  	_ =	strace $0x90000047  }
0x7e: {  	[bflag:$0x2] =	sbarrier.arrive $0xFFFF  }
0x7f: {  	p0 =	sne.s32 s0, $0x0;
	s0 =	rddreg [dreg:$0x3]  }
0x80: {  	s0 =	sadd.s32 @!p0 $0x100000, s0  }
0x81: {  	[sflag:s0] =	ssyncadd.tile.s32 @!p0 $0x1;
	_ =	shalt  }
.Lfunc_end2:
_tile_overlayer_lowered:
.L_overlay_start_2:
0x82: {  	(tag) =	ssettag $0x2  }
0x83: {  	s0 =	rddreg [dreg:$0x0];
	s2 =	stileid.u32  }
0x84: {  	s1 =	rddreg [dreg:$0x1];
	p0 =	sne.s32 s2, $0x0  }
0x85: {  	s3 =	rddreg [dreg:$0x2];
	[bflag:$0x3] =	sbarrier.arrive $0xFFFF;
	s2 =	simm.s32 @!p0 $0x1C09  }
0x86: {  	[timem:s3], [sflag:s2] =	dma.local @!p0 [hbm:s0], s1  }
0x87: {  	s0 =	simm.s32 @!p0 $0x9  }
0x88: {  	_ =	swait.ge @!p0 [sflag:s0], s1  }
0x89: {  	s1 =	ssub.s32 @!p0 $0x0, s1;
	[sflag:s0] =	ssyncset.done @!p0 $0x0  }
0x8a: {  	[sflag:s0] =	ssyncadd.s32 @!p0 s1  }
0x8b: {  	[bflag:$0x3] =	sbarrier.arrive $0xFFFF  }
0x8c: {  	_ =	shalt  }

</sc_bundles>
